<compile_context>
chip_gen: v7x
topology: tpu7x:2x2x1
jax: 0.10.2.dev20260603
libtpu: 0.0.44.dev20260713+nightly
codegen_flags: <defaults>
</compile_context>

<pallas_src>
import functools

import jax
import jax.numpy as jnp
from jax import lax
from jax.experimental import pallas as pl
from jax.experimental.pallas import tpu as pltpu
from jax.experimental.pallas import tpu_sc as plsc

_NC = 1
_NS = 16
_NW = _NC * _NS


def _sc_scatter_body(key_ref, value_ref, rowidx_ref, ko_ref, vo_ref,
                     kbuf, vbuf, idxbuf, gsem, ssem):
    nrows = key_ref.shape[0]
    w = lax.axis_index("s") * _NC + lax.axis_index("c")
    rows_w = nrows // _NW
    sl = pl.ds(w * rows_w, rows_w)
    stages = [
        pltpu.make_async_copy(key_ref.at[sl], kbuf, gsem),
        pltpu.make_async_copy(value_ref.at[sl], vbuf, gsem),
        pltpu.make_async_copy(rowidx_ref.at[sl], idxbuf, gsem),
    ]
    for d in stages:
        d.start()
    for d in stages:
        d.wait()
    scats = [
        pltpu.make_async_copy(kbuf, ko_ref.at[idxbuf], ssem),
        pltpu.make_async_copy(vbuf, vo_ref.at[idxbuf], ssem),
    ]
    for d in scats:
        d.start()
    for d in scats:
        d.wait()


def kernel(key, value, k_cache, v_cache, next_token_pos):
    B, G, L, H = k_cache.shape
    num = key.shape[2]
    BG = B * G
    rows_w = (BG * num) // _NW

    key2 = key.reshape(BG * num, H)
    value2 = value.reshape(BG * num, H)
    pos = jnp.asarray(next_token_pos, jnp.int32)
    rowidx = (jnp.arange(BG, dtype=jnp.int32)[:, None] * L + pos
              + jnp.arange(num, dtype=jnp.int32)[None, :]).reshape(BG * num)

    ko_ref = jax.new_ref(k_cache.reshape(BG * L, H))
    vo_ref = jax.new_ref(v_cache.reshape(BG * L, H))

    mesh = plsc.VectorSubcoreMesh(core_axis_name="c", subcore_axis_name="s",
                                  num_cores=_NC, num_subcores=_NS)
    sc_scatter = functools.partial(
        pl.kernel,
        out_type=(),
        mesh=mesh,
        scratch_types=[
            pltpu.VMEM((rows_w, H), k_cache.dtype),
            pltpu.VMEM((rows_w, H), v_cache.dtype),
            pltpu.VMEM((rows_w,), jnp.int32),
            pltpu.SemaphoreType.DMA,
            pltpu.SemaphoreType.DMA,
        ],
    )(_sc_scatter_body)
    sc_scatter(key2, value2, rowidx, ko_ref, vo_ref)

    return (ko_ref[...].reshape(B, G, L, H),
            vo_ref[...].reshape(B, G, L, H))

# --- scband reference (transcript-rebuilt; emitter-appended) ---
"""Pipeline reference for scband-dense-kvcache-26955214749702 (READ-ONLY COPY).

The authoritative reference and input builder live on the scoring server;
editing this copy changes nothing except your own understanding.
"""

import jax, jax.numpy as jnp
import numpy as np

B, G, L, H, NUM = 16, 8, 4096, 128, 16

def setup_inputs(seed: int = 0) -> dict:
    key = jax.random.key(seed)
    k0, k1, k2, k3 = jax.random.split(key, 4)
    return {
        "key": jax.random.normal(k0, (B, G, NUM, H), dtype=jnp.float32),
        "value": jax.random.normal(k1, (B, G, NUM, H), dtype=jnp.float32),
        "k_cache": jax.random.normal(k2, (B, G, L, H), dtype=jnp.float32),
        "v_cache": jax.random.normal(k3, (B, G, L, H), dtype=jnp.float32),
        "next_token_pos": L - NUM,
    }

def reference(key, value, k_cache, v_cache, next_token_pos):
    # DenseKVCache.forward: scatter-overwrite the `num` new token slots
    # at positions [next_token_pos : next_token_pos + num] in the dense
    # KV buffers, then return views of the first T = next_token_pos + num
    # cached positions (DefaultKeysAndValues).
    num = key.shape[2]
    positions = next_token_pos + jnp.arange(num)
    k_new = k_cache.at[:, :, positions, :].set(key)
    v_new = v_cache.at[:, :, positions, :].set(value)
    T = k_cache.shape[2]
    keys_out = k_new[:, :, :T, :]
    values_out = v_new[:, :, :T, :]
    return keys_out, values_out

if __name__ == "__main__":
    import jax
    _d = setup_inputs()
    print(jax.jit(kernel)(*tuple(_d.values())))

</pallas_src>

<mosaic_0001>
#map = affine_map<(d0, d1) -> (0, 0)>
#map1 = affine_map<(d0, d1) -> (0)>
module attributes {stable_mosaic.version = 14 : i64} {
  func.func @new_body(%arg0: i32, %arg1: i32, %arg2: memref<2048x128xf32, #tpu.memory_space<hbm>>, %arg3: memref<2048x128xf32, #tpu.memory_space<hbm>>, %arg4: memref<2048xi32, #tpu.memory_space<hbm>>, %arg5: memref<524288x128xf32, #tpu.memory_space<hbm>>, %arg6: memref<524288x128xf32, #tpu.memory_space<hbm>>, %arg7: memref<524288x128xf32, #tpu.memory_space<hbm>>, %arg8: memref<524288x128xf32, #tpu.memory_space<hbm>>, %arg9: memref<128x128xf32, #tpu.memory_space<vmem>>, %arg10: memref<128x128xf32, #tpu.memory_space<vmem>>, %arg11: memref<128xi32, #tpu.memory_space<vmem>>, %arg12: memref<!tpu.dma_semaphore, #tpu.memory_space<semaphore_mem>>, %arg13: memref<!tpu.dma_semaphore, #tpu.memory_space<semaphore_mem>>) attributes {dimension_semantics = [#tpu.dimension_semantics<core_parallel>, #tpu.dimension_semantics<subcore_parallel>], iteration_bounds = array<i64: 1, 16>, scalar_prefetch = 0 : i64, scratch_operands = 5 : i64, tpu.core_type = #tpu.core_type<sc_vector_subcore>, window_params = [{transform_indices = #map}, {transform_indices = #map}, {transform_indices = #map1}, {transform_indices = #map}, {transform_indices = #map}, {transform_indices = #map}, {transform_indices = #map}]} {
    %mul3A = arith.constant 1 : i32
    %mul3A_0 = arith.muli %arg1, %mul3A : i32
    %add3A = arith.addi %mul3A_0, %arg0 : i32
    %mul3A_1 = arith.constant 128 : i32
    %mul3A_2 = arith.muli %add3A, %mul3A_1 : i32
    %dma_start3A = arith.constant 0 : i32
    %dma_start3A_3 = tpu.memref_slice %arg2[%mul3A_2, %dma_start3A] : memref<2048x128xf32, #tpu.memory_space<hbm>> -> memref<128x128xf32, #tpu.memory_space<hbm>>
    %dma_start3A_4 = arith.constant 0 : i32
    %dma_start3A_5 = tpu.memref_slice %arg2[%mul3A_2, %dma_start3A_4] : memref<2048x128xf32, #tpu.memory_space<hbm>> -> memref<128x128xf32, #tpu.memory_space<hbm>>
    tpu.enqueue_dma source(%dma_start3A_5 : memref<128x128xf32, #tpu.memory_space<hbm>>) target(%arg9 : memref<128x128xf32, #tpu.memory_space<vmem>>) target_semaphore(%arg12 : memref<!tpu.dma_semaphore, #tpu.memory_space<semaphore_mem>>)
    %dma_start3A_6 = arith.constant 0 : i32
    %dma_start3A_7 = tpu.memref_slice %arg3[%mul3A_2, %dma_start3A_6] : memref<2048x128xf32, #tpu.memory_space<hbm>> -> memref<128x128xf32, #tpu.memory_space<hbm>>
    %dma_start3A_8 = arith.constant 0 : i32
    %dma_start3A_9 = tpu.memref_slice %arg3[%mul3A_2, %dma_start3A_8] : memref<2048x128xf32, #tpu.memory_space<hbm>> -> memref<128x128xf32, #tpu.memory_space<hbm>>
    tpu.enqueue_dma source(%dma_start3A_9 : memref<128x128xf32, #tpu.memory_space<hbm>>) target(%arg10 : memref<128x128xf32, #tpu.memory_space<vmem>>) target_semaphore(%arg12 : memref<!tpu.dma_semaphore, #tpu.memory_space<semaphore_mem>>)
    %dma_start3A_10 = tpu.memref_slice %arg4[%mul3A_2] : memref<2048xi32, #tpu.memory_space<hbm>> -> memref<128xi32, #tpu.memory_space<hbm>>
    %dma_start3A_11 = tpu.memref_slice %arg4[%mul3A_2] : memref<2048xi32, #tpu.memory_space<hbm>> -> memref<128xi32, #tpu.memory_space<hbm>>
    tpu.enqueue_dma source(%dma_start3A_11 : memref<128xi32, #tpu.memory_space<hbm>>) target(%arg11 : memref<128xi32, #tpu.memory_space<vmem>>) target_semaphore(%arg12 : memref<!tpu.dma_semaphore, #tpu.memory_space<semaphore_mem>>)
    %dma_wait3A = arith.constant 0 : i32
    %dma_wait3A_12 = tpu.memref_slice %arg2[%mul3A_2, %dma_wait3A] : memref<2048x128xf32, #tpu.memory_space<hbm>> -> memref<128x128xf32, #tpu.memory_space<hbm>>
    %dma_wait3A_13 = arith.constant 0 : i32
    %dma_wait3A_14 = tpu.memref_slice %arg2[%mul3A_2, %dma_wait3A_13] : memref<2048x128xf32, #tpu.memory_space<hbm>> -> memref<128x128xf32, #tpu.memory_space<hbm>>
    tpu.wait_dma2 semaphore(%arg12 : memref<!tpu.dma_semaphore, #tpu.memory_space<semaphore_mem>>) src(%dma_wait3A_14 : memref<128x128xf32, #tpu.memory_space<hbm>>) dst(%arg9 : memref<128x128xf32, #tpu.memory_space<vmem>>)
    %dma_wait3A_15 = arith.constant 0 : i32
    %dma_wait3A_16 = tpu.memref_slice %arg3[%mul3A_2, %dma_wait3A_15] : memref<2048x128xf32, #tpu.memory_space<hbm>> -> memref<128x128xf32, #tpu.memory_space<hbm>>
    %dma_wait3A_17 = arith.constant 0 : i32
    %dma_wait3A_18 = tpu.memref_slice %arg3[%mul3A_2, %dma_wait3A_17] : memref<2048x128xf32, #tpu.memory_space<hbm>> -> memref<128x128xf32, #tpu.memory_space<hbm>>
    tpu.wait_dma2 semaphore(%arg12 : memref<!tpu.dma_semaphore, #tpu.memory_space<semaphore_mem>>) src(%dma_wait3A_18 : memref<128x128xf32, #tpu.memory_space<hbm>>) dst(%arg10 : memref<128x128xf32, #tpu.memory_space<vmem>>)
    %dma_wait3A_19 = tpu.memref_slice %arg4[%mul3A_2] : memref<2048xi32, #tpu.memory_space<hbm>> -> memref<128xi32, #tpu.memory_space<hbm>>
    %dma_wait3A_20 = tpu.memref_slice %arg4[%mul3A_2] : memref<2048xi32, #tpu.memory_space<hbm>> -> memref<128xi32, #tpu.memory_space<hbm>>
    tpu.wait_dma2 semaphore(%arg12 : memref<!tpu.dma_semaphore, #tpu.memory_space<semaphore_mem>>) src(%dma_wait3A_20 : memref<128xi32, #tpu.memory_space<hbm>>) dst(%arg11 : memref<128xi32, #tpu.memory_space<vmem>>)
    %dma_start3A_21 = arith.constant 0 : i32
    %dma_start3A_22 = arith.constant 0 : i32
    %dma_start3A_23 = tpu.memref_slice %arg5[%dma_start3A_21, %dma_start3A_22] : memref<524288x128xf32, #tpu.memory_space<hbm>> -> memref<524288x128xf32, #tpu.memory_space<hbm>>
    tpu.enqueue_indirect_dma source(%arg9 : memref<128x128xf32, #tpu.memory_space<vmem>>) target(%dma_start3A_23 : memref<524288x128xf32, #tpu.memory_space<hbm>>) offsets(%arg11 : memref<128xi32, #tpu.memory_space<vmem>>) semaphore(%arg13 : memref<!tpu.dma_semaphore, #tpu.memory_space<semaphore_mem>>)
    %dma_start3A_24 = arith.constant 0 : i32
    %dma_start3A_25 = arith.constant 0 : i32
    %dma_start3A_26 = tpu.memref_slice %arg6[%dma_start3A_24, %dma_start3A_25] : memref<524288x128xf32, #tpu.memory_space<hbm>> -> memref<524288x128xf32, #tpu.memory_space<hbm>>
    tpu.enqueue_indirect_dma source(%arg10 : memref<128x128xf32, #tpu.memory_space<vmem>>) target(%dma_start3A_26 : memref<524288x128xf32, #tpu.memory_space<hbm>>) offsets(%arg11 : memref<128xi32, #tpu.memory_space<vmem>>) semaphore(%arg13 : memref<!tpu.dma_semaphore, #tpu.memory_space<semaphore_mem>>)
    %dma_wait3A_27 = arith.constant 0 : i32
    %dma_wait3A_28 = arith.constant 0 : i32
    %dma_wait3A_29 = tpu.memref_slice %arg5[%dma_wait3A_27, %dma_wait3A_28] : memref<524288x128xf32, #tpu.memory_space<hbm>> -> memref<524288x128xf32, #tpu.memory_space<hbm>>
    tpu.wait_indirect_dma semaphore(%arg13 : memref<!tpu.dma_semaphore, #tpu.memory_space<semaphore_mem>>) src(%arg9 : memref<128x128xf32, #tpu.memory_space<vmem>>) dst(%dma_wait3A_29 : memref<524288x128xf32, #tpu.memory_space<hbm>>)
    %dma_wait3A_30 = arith.constant 0 : i32
    %dma_wait3A_31 = arith.constant 0 : i32
    %dma_wait3A_32 = tpu.memref_slice %arg6[%dma_wait3A_30, %dma_wait3A_31] : memref<524288x128xf32, #tpu.memory_space<hbm>> -> memref<524288x128xf32, #tpu.memory_space<hbm>>
    tpu.wait_indirect_dma semaphore(%arg13 : memref<!tpu.dma_semaphore, #tpu.memory_space<semaphore_mem>>) src(%arg10 : memref<128x128xf32, #tpu.memory_space<vmem>>) dst(%dma_wait3A_32 : memref<524288x128xf32, #tpu.memory_space<hbm>>)
    return
  }
}

</mosaic_0001>

<sc_bundles>
// kernel: kernel.3.cloned.1.call-start
scs
__scs_entry_jumppad:
0x0: {  	(pc) =	sbr.rel $0x88, $3  }
0x1: {  	(tag) =	ssettag $0x0;
	lr =	simm.s32 $0x1  }
0x2: {  	[smem:$0x3F9C] =	sst lr;
	_ =	strace $0xD0000000  }
0x3: {  	_ = 	snop  }
0x4: {  	_ = 	snop  }
0x5: {  	_ = 	snop  }
0x6: {  	_ = 	snop  }
0x7: {  	_ = 	snop  }
__scs_overlays_trampoline_lowered:
0x8: {  	[smem:$0x3FAB] =	sst s0  }
0x9: {  	[smem:$0x3FAC] =	sst s1  }
0xa: {  	[smem:$0x3FAD] =	sst s2  }
0xb: {  	[smem:$0x3FAE] =	sst s3  }
0xc: {  	[smem:$0x3FAF] =	sst s4  }
0xd: {  	[smem:$0x3FB0] =	sst s5  }
0xe: {  	[smem:$0x3FB1] =	sst s6  }
0xf: {  	[smem:$0x3FB2] =	sst s7  }
0x10: {  	[smem:$0x3FB3] =	sst s8  }
0x11: {  	[smem:$0x3FB4] =	sst s9;
	s0 =	simm.s32 @!p0 $0x0  }
0x12: {  	s1 =	sld [smem:$0x3F9A];
	s0 =	simm.s32 @p0 $0x1  }
0x13: {  	[smem:$0x3FB5] =	sst s0;
	s0 =	simm.s32 @!p1 $0x0  }
0x14: {  	s2 =	sld [smem:$0x3F99];
	s0 =	simm.s32 @p1 $0x1  }
0x15: {  	[smem:$0x3FB6] =	sst s0;
	s0 =	simm.s32 @!p2 $0x0  }
0x16: {  	s3 =	sld [smem:$0x3FDB];
	s0 =	simm.s32 @p2 $0x1  }
0x17: {  	s4 =	simm.s32 $0x1BF5;
	[smem:$0x3FB8] =	sst s0  }
0x18: {  	s0 =	sld [smem:$0x3F9B];
	_ =	swait.ge [sflag:s4], $0x0  }
0x19: {  	s7 =	sld [smem:$0x3F9C]  }
0x1a: {  	s8 =	sadd.s32 $0xFFFFE003, lr  }
0x1b: {  	s9 =	sadd.s32 $0xFFFFFEF7, lr;
	s5 =	simm.s32 $0xFFFFFFFF;
	p2 =	slt.u32 s8, $0xFFFFF086  }
0x1c: {  	p1 =	slt.u32 s9, $0xF7A;
	s5 =	simm.s32 @!p2 $0x0  }
0x1d: {  	s5 =	simm.s32 @p1 $0x1;
	p0 =	seq.s32 s7, s2  }
0x1e: {  	s7 =	smul.u32 @!p0 $0xF7A, s2;
	p2 =	seq.s32 @!p0 s5, $0x0  }
0x1f: {  	s9 =	smul.u32 $0xF7A, s1;
	s8 =	simm.s32 @!p0 $0x1BF5;
	p2 =	por !p2, p0  }
0x20: {  	[sflag:s8] =	ssyncset.s32 @!p0 $0xFFFFF086;
	s6 =	sadd.s32 @!p0 s3, s7;
	s7 =	simm.s32 @!p0 $0x108  }
0x21: {  	s3 =	sadd.s32 s3, s9;
	s6 =	sadd.s32 @!p0 $0x88, s6;
	s7 =	simm.s32 @p2 $0x1082  }
0x22: {  	[simem:s7], [sflag:s8] =	dma.local @!p0 [hbm:s6], $0xF7A  }
0x23: {  	s9 =	sor.u32 $0xD0000000, s2;
	s6 =	simm.s32 $0x108;
	_ =	swait.ge @!p0 [sflag:s8], $0x0  }
0x24: {  	s3 =	sadd.s32 $0x88, s3;
	s6 =	simm.s32 @!p1 $0x1082;
	[sflag:s4] =	ssyncset.s32 $0xFFFFF086  }
0x25: {  	[simem:s6], [sflag:s4] =	dma.local [hbm:s3], $0xF7A  }
0x26: {  	[smem:$0x3F9C] =	sst s1;
	(tag) =	ssettag s2;
	_ =	strace s9  }
0x27: {  	s1 =	sld [smem:$0x3FAC]  }
0x28: {  	s2 =	sld [smem:$0x3FAD]  }
0x29: {  	s4 =	sld [smem:$0x3FAF]  }
0x2a: {  	p0 =	seq.s32 s5, $0x0;
	s5 =	sld [smem:$0x3FB0]  }
0x2b: {  	s6 =	sld [smem:$0x3FB1]  }
0x2c: {  	s7 =	sld [smem:$0x3FB2]  }
0x2d: {  	s3 =	simm.s32 $0x108;
	s8 =	sld [smem:$0x3FB3]  }
0x2e: {  	s3 =	simm.s32 @!p0 $0x1082;
	s9 =	sld [smem:$0x3FB4]  }
0x2f: {  	lr =	sadd.s32 s0, s3;
	s0 =	sld [smem:$0x3FAB]  }
0x30: {  	s3 =	sld [smem:$0x3FAE]  }
0x31: {  	[smem:$0x3FB7] =	sst s10  }
0x32: {  	s10 =	sld [smem:$0x3FB5];
	_ =	sdelay $0x3  }
0x33: {  	p0 =	seq.s32 s10, $0x1;
	s10 =	sld [smem:$0x3FB7];
	_ =	sdelay $0x3  }
0x34: {  	[smem:$0x3FB7] =	sst s10  }
0x35: {  	s10 =	sld [smem:$0x3FB6];
	_ =	sdelay $0x3  }
0x36: {  	p1 =	seq.s32 s10, $0x1;
	s10 =	sld [smem:$0x3FB7];
	_ =	sdelay $0x3  }
0x37: {  	[smem:$0x3FB7] =	sst s10  }
0x38: {  	s10 =	sld [smem:$0x3FB8]  }
0x39: {  	_ = 	snop;
	(pc) =	sbr.ind lr, $3  }
0x3a: {  	_ = 	snop  }
0x3b: {  	_ = 	snop  }
0x3c: {  	p2 =	seq.s32 s10, $0x1;
	s10 =	sld [smem:$0x3FB7]  }
0x3d: {  	_ =	shalt  }
0x3e: {  	_ =	shalt  }
0x3f: {  	_ =	shalt  }
0x40: {  	_ =	shalt  }
0x41: {  	_ =	shalt  }
0x42: {  	_ =	shalt  }
0x43: {  	_ =	shalt  }
0x44: {  	_ =	shalt  }
0x45: {  	_ =	shalt  }
0x46: {  	_ =	shalt  }
0x47: {  	_ =	shalt  }
0x48: {  	_ =	shalt  }
0x49: {  	_ =	shalt  }
0x4a: {  	_ =	shalt  }
0x4b: {  	_ =	shalt  }
0x4c: {  	_ =	shalt  }
0x4d: {  	_ =	shalt  }
0x4e: {  	_ =	shalt  }
0x4f: {  	_ =	shalt  }
0x50: {  	_ =	shalt  }
0x51: {  	_ =	shalt  }
0x52: {  	_ =	shalt  }
0x53: {  	_ =	shalt  }
0x54: {  	_ =	shalt  }
0x55: {  	_ =	shalt  }
0x56: {  	_ =	shalt  }
0x57: {  	_ =	shalt  }
0x58: {  	_ =	shalt  }
0x59: {  	_ =	shalt  }
0x5a: {  	_ =	shalt  }
0x5b: {  	_ =	shalt  }
0x5c: {  	_ =	shalt  }
0x5d: {  	_ =	shalt  }
0x5e: {  	_ =	shalt  }
0x5f: {  	_ =	shalt  }
0x60: {  	_ =	shalt  }
0x61: {  	_ =	shalt  }
0x62: {  	_ =	shalt  }
0x63: {  	_ =	shalt  }
0x64: {  	_ =	shalt  }
0x65: {  	_ =	shalt  }
0x66: {  	_ =	shalt  }
0x67: {  	_ =	shalt  }
0x68: {  	_ =	shalt  }
0x69: {  	_ =	shalt  }
0x6a: {  	_ =	shalt  }
0x6b: {  	_ =	shalt  }
0x6c: {  	_ =	shalt  }
0x6d: {  	_ =	shalt  }
0x6e: {  	_ =	shalt  }
0x6f: {  	_ =	shalt  }
0x70: {  	_ =	shalt  }
0x71: {  	_ =	shalt  }
0x72: {  	_ =	shalt  }
0x73: {  	_ =	shalt  }
0x74: {  	_ =	shalt  }
0x75: {  	_ =	shalt  }
0x76: {  	_ =	shalt  }
0x77: {  	_ =	shalt  }
0x78: {  	_ =	shalt  }
0x79: {  	_ =	shalt  }
0x7a: {  	_ =	shalt  }
0x7b: {  	_ =	shalt  }
0x7c: {  	_ =	shalt  }
0x7d: {  	_ =	shalt  }
0x7e: {  	_ =	shalt  }
0x7f: {  	_ =	shalt  }
0x80: {  	_ =	shalt  }
0x81: {  	_ =	shalt  }
0x82: {  	_ =	shalt  }
0x83: {  	_ =	shalt  }
0x84: {  	_ =	shalt  }
0x85: {  	_ =	shalt  }
0x86: {  	_ =	shalt  }
0x87: {  	_ =	shalt  }
.Lfunc_end0:
.L_simem_size_0:
called_computation_lowered:
.L_overlay_start_0:
0x88: {  	s0 =	sld [smem:$0x3FD9]  }
0x89: {  	s1 =	sld [smem:$0x3FFE];
	_ =	sdelay $0x3  }
0x8a: {  	s0 =	sadd.s32 s1, s0  }
0x8b: {  	[smem:$0x3FC3] =	sst s0  }
0x8c: {  	_ = 	snop  }
0x8d: {  	s0 =	sld [smem:$0x3FD0];
	_ =	sdelay $0x1  }
0x8e: {  	s13 =	sld [smem:$0x3FC9]  }
0x8f: {  	s3 =	simm.s32 $0xA;
	s4 =	simm.s32 $0x10;
	s2 =	sld [smem:$0x3FC8]  }
0x90: {  	[smem:s4], [sflag:s3] =	dma.local [hbm:s0], $0x1  }
0x91: {  	_ =	swait.eq [sflag:s3], $0x1  }
0x92: {  	[sflag:s3] =	ssyncset.done $0x0  }
0x93: {  	s14 =	sld [smem:$0x10];
	[sflag:s3] =	ssyncadd.s32 $0xFFFFFFFF  }
0x94: {  	s15 =	sld [smem:$0x11];
	(tm) =	ssettm $0x1  }
0x95: {  	s16 =	sld [smem:$0x3FFB];
	_ =	sdelay $0x3  }
0x96: {  	_ =	strace s16  }
0x97: {  	s4 =	sld [smem:$0x3FFC];
	_ =	sdelay $0x3  }
0x98: {  	_ =	strace s4  }
0x99: {  	s4 =	sld [smem:$0x3FFD];
	_ =	sdelay $0x3  }
0x9a: {  	_ =	strace s4  }
0x9b: {  	_ =	strace $0x8FFFFFFF  }
0x9c: {  	s17 =	sld [smem:$0x3FDB];
	_ =	sdelay $0x1  }
0x9d: {  	s5 =	simm.s32 $_scs_section_size  }
0x9e: {  	s6 =	simm.s32 $_size__tile_overlayer_lowered;
	s7 =	simm.s32 $_tile_overlayer_lowered  }
0x9f: {  	s20 =	simm.s32 $0x1BFF;
	s19 =	sshll.u32 s7, $0x1;
	s4 =	sadd.s32 s5, s17  }
0xa0: {  	s8 =	simm.s32 $0x0;
	s18 =	sshll.u32 s6, $0x1;
	s6 =	sadd.s32 s19, s4  }
0xa1: {  	[timem:s8], [sflag:s20] =	dma.local [hbm:s6], s18  }
0xa2: {  	_ =	swait.ge [sflag:s20], s18  }
0xa3: {  	s5 =	ssub.s32 $0x0, s18;
	[sflag:s20] =	ssyncset.done $0x0  }
0xa4: {  	[sflag:s20] =	ssyncadd.s32 s5;
	_ =	sdelay $0x1  }
0xa5: {  	s21 =	simm.s32 $0x1B8B  }
0xa6: {  	_ =	swait.ge [sflag:s21], $0x1  }
0xa7: {  	[sflag:s21] =	ssyncset.done $0x0  }
0xa8: {  	s23 =	simm.s32 $0x1B8E;
	s22 =	sld [smem:$0x3FFE];
	[sflag:s21] =	ssyncadd.s32 $0xFFFFFFFF  }
0xa9: {  	s24 =	simm.s32 $execute0_lowered;
	[smem:$0x3FD2] =	sst s23  }
0xaa: {  	s6 =	sshll.u32 s24, $0x1;
	_ =	strace $0x80000046;
	[dreg:$0x1] =	wrdreg $0xFFFFFFFF  }
0xab: {  	s25 =	simm.s32 $_size_execute0_lowered;
	s4 =	sadd.s32 s4, s6;
	[dreg:$0x0] =	wrdreg $0x0  }
0xac: {  	s6 =	sshll.u32 s25, $0x1;
	[dreg:$0x2] =	wrdreg s4  }
0xad: {  	[dreg:$0x3] =	wrdreg s6  }
0xae: {  	[dreg:$0x4] =	wrdreg $0xC0  }
0xaf: {  	_ =	task [dreg:s8], $0x5FFFF  }
0xb0: {  	[dreg:$0x1] =	wrdreg $0xFFFFFFFF  }
0xb1: {  	[dreg:$0x0] =	wrdreg $0x60  }
0xb2: {  	[dreg:$0x2] =	wrdreg s13  }
0xb3: {  	[dreg:$0x3] =	wrdreg s2  }
0xb4: {  	[dreg:$0x4] =	wrdreg s22  }
0xb5: {  	[dreg:$0x5] =	wrdreg s14  }
0xb6: {  	[dreg:$0x6] =	wrdreg s15  }
0xb7: {  	[dreg:$0x7] =	wrdreg $0x9  }
0xb8: {  	_ =	task.clear_ibuf [dreg:s8], $0x8FFFF;
	_ =	strace $0x90000046  }
0xb9: {  	s26 =	simm.s32 $0x9;
	_ =	strace $0x80000048  }
0xba: {  	_ =	swait.ge [sflag:s26], $0x1  }
0xbb: {  	[sflag:s26] =	ssyncadd.s32 $0xFFFFFFFF  }
0xbc: {  	_ =	strace $0x90000048  }
0xbd: {  	_ =	sfence  }
0xbe: {  	s28 =	sld [smem:$0x0];
	_ =	sdelay $0x1  }
0xbf: {  	s29 =	srdreg.scid  }
0xc0: {  	s30 =	sshll.u32 s29, $0xD;
	s31 =	sshrl.u32 s29, $0x2  }
0xc1: {  	s1 =	sand.u32 $0x1, s29;
	s2 =	sand.u32 $0x4000, s30;
	s0 =	sadd.s32 s31, s28  }
0xc2: {  	s1 =	sor.u32 s2, s1;
	s0 =	sshll.u32 s0, $0x11  }
0xc3: {  	s0 =	sor.u32 s0, s1  }
0xc4: {  	s0 =	sadd.s32 $0x8F2B, s0  }
0xc5: {  	[sflag:s0] =	ssyncadd.remote.s32 $0x1  }
0xc6: {  	_ =	sfence.sel $0xFFFF  }
0xc7: {  	[dreg:$0x0] =	wrdreg $0xFFFFFFFF;
	(pc) =	sbr.abs _section_cstart, $3  }
0xc8: {  	[dreg:$0x1] =	wrdreg $0xFFFFFFFF  }
0xc9: {  	_ =	task.clear_ibuf [dreg:s8], $0x2FFFF;
	_ =	strace $0x9FFFFFFF  }
0xca: {  	(tm) =	ssettm $0x7FFFFFFF  }
0xcb: {  	_ =	shalt  }
tec
execute0_lowered:
.L_overlay_start_1:
0x0: {  	(tag) =	ssettag $0x1  }
0x1: {  	s0 =	rddreg [dreg:$0x0]  }
0x2: {  	s1 =	rddreg [dreg:$0x1]  }
0x3: {  	s2 =	rddreg [dreg:$0x2]  }
0x4: {  	s3 =	rddreg [dreg:$0x3]  }
0x5: {  	s4 =	rddreg [dreg:$0x4]  }
0x6: {  	s5 =	rddreg [dreg:$0x5];
	s6 =	simm.s32 $0x0;
	s7 =	stileid.u32  }
0x7: {  	[smem:$0x7FF] =	sst s6;
	s8 =	sshll.u32 s7, $0xB  }
0x8: {  	s25 =	sshll.u32 s7, $0x4;
	_ =	strace $0x80000047;
	s0 =	sadd.s32 s0, s8  }
0x9: {  	[tilespmem:s6], [sflag:$0x1] =	stream.linear.gather [hbm4b:s0+s6], $0x4000, $0x38;
	[tilespmem:$0x8080] =	vst v63  }
0xa: {  	s26 =	simm.s32 $0x4000;
	s1 =	sadd.s32 s1, s8;
	s0 =	sadd.s32 s25, s2  }
0xb: {  	[tilespmem:s26], [sflag:$0x1] =	stream.linear.gather [hbm4b:s1+s6], $0x4000, $0x38;
	[tilespmem:$0x8080] =	vst v63  }
0xc: {  	s28 =	simm.s32 $0x8000;
	s29 =	simm.s32 $0x1;
	s0 =	sadd.s32 $0x800, s0  }
0xd: {  	[tilespmem:s28], [sflag:$0x1] =	stream.linear.gather [hbm4b:s0+s6], $0x80, $0x38;
	[tilespmem:$0x8080] =	vst v63  }
0xe: {  	_ =	swait.ge [sflag:s29], $0x4000  }
0xf: {  	[sflag:s29] =	ssyncset.done $0x0  }
0x10: {  	[sflag:s29] =	ssyncadd.s32 $0xFFFFC000  }
0x11: {  	_ =	swait.ge [sflag:s29], $0x4000  }
0x12: {  	[sflag:s29] =	ssyncset.done $0x0  }
0x13: {  	[sflag:s29] =	ssyncadd.s32 $0xFFFFC000  }
0x14: {  	_ =	swait.ge [sflag:s29], $0x80  }
0x15: {  	[sflag:s29] =	ssyncset.done $0x0  }
0x16: {  	s30 =	simm.s32 $0x80;
	[sflag:s29] =	ssyncadd.s32 $0xFFFFFF80  }
0x17: {  	[hbm4b:s3+s30] =	stream.indirect.scatter [tilespmem:s6], [sflag:$0x2], $0x80, s28, s30, $0xb8;
	[tilespmem:$0x8080] =	vst v63  }
0x18: {  	s31 =	simm.s32 $0x2  }
0x19: {  	[hbm4b:s4+s30] =	stream.indirect.scatter [tilespmem:s26], [sflag:$0x2], $0x80, s28, s30, $0xb8;
	[tilespmem:$0x8080] =	vst v63  }
0x1a: {  	_ =	swait.ge [sflag:s31], $0x4000  }
0x1b: {  	[sflag:s31] =	ssyncset.done $0x0  }
0x1c: {  	[sflag:s31] =	ssyncadd.s32 $0xFFFFC000  }
0x1d: {  	_ =	swait.ge [sflag:s31], $0x4000  }
0x1e: {  	[sflag:s31] =	ssyncset.done $0x0  }
0x1f: {  	[sflag:s31] =	ssyncadd.s32 $0xFFFFC000  }
0x20: {  	_ =	sfence.sel $0x180000  }
0x21: {  	[bflag:$0x0] =	sbarrier.arrive $0xFFFF  }
0x22: {  	p0 =	sne.s32 s7, $0x0;
	_ =	strace $0x90000047  }
0x23: {  	s0 =	sadd.s32 @!p0 $0x100000, s5;
	[bflag:$0x2] =	sbarrier.arrive $0xFFFF  }
0x24: {  	[sflag:s0] =	ssyncadd.tile.s32 @!p0 $0x1;
	_ =	shalt  }
.Lfunc_end2:
_tile_overlayer_lowered:
.L_overlay_start_2:
0x25: {  	(tag) =	ssettag $0x2  }
0x26: {  	s0 =	rddreg [dreg:$0x0];
	s2 =	stileid.u32  }
0x27: {  	s1 =	rddreg [dreg:$0x1];
	p0 =	sne.s32 s2, $0x0  }
0x28: {  	s3 =	rddreg [dreg:$0x2];
	[bflag:$0x3] =	sbarrier.arrive $0xFFFF;
	s2 =	simm.s32 @!p0 $0x1C03  }
0x29: {  	[timem:s3], [sflag:s2] =	dma.local @!p0 [hbm:s0], s1  }
0x2a: {  	s0 =	simm.s32 @!p0 $0x3  }
0x2b: {  	_ =	swait.ge @!p0 [sflag:s0], s1  }
0x2c: {  	s1 =	ssub.s32 @!p0 $0x0, s1;
	[sflag:s0] =	ssyncset.done @!p0 $0x0  }
0x2d: {  	[sflag:s0] =	ssyncadd.s32 @!p0 s1  }
0x2e: {  	[bflag:$0x3] =	sbarrier.arrive $0xFFFF  }
0x2f: {  	_ =	shalt  }

</sc_bundles>
